<compile_context>
chip_gen: v7x
topology: tpu7x:2x2x1
jax: 0.10.2.dev20260603
libtpu: 0.0.44.dev20260713+nightly
codegen_flags: <defaults>
</compile_context>

<pallas_src>
import functools

import jax
import jax.numpy as jnp
from jax import lax
from jax.experimental import pallas as pl
from jax.experimental.pallas import tpu as pltpu
from jax.experimental.pallas import tpu_sc as plsc

_K = 64
_D = 32
_N = _K * _K * _K * _D
_NC = 2
_NS = 16
_NW = _NC * _NS
_PER_W = _N // _NW
_BUF = 16384
_NDMA = _PER_W // _BUF


def _fill_body(lat_hbm, c0_hbm, c1_hbm, c2_hbm, out_hbm, vecs_v, buf_v,
               shared_v, sem):
    cid = lax.axis_index("c")
    sid = lax.axis_index("s")
    wid = cid * _NS + sid

    pltpu.sync_copy(lat_hbm, vecs_v.at[0])
    pltpu.sync_copy(c0_hbm, vecs_v.at[1])
    pltpu.sync_copy(c1_hbm, vecs_v.at[2])
    pltpu.sync_copy(c2_hbm, vecs_v.at[3])

    chunks = []
    for j in range(_D // 16):
        s = pl.ds(16 * j, 16)
        chunks.append(3.0 * vecs_v[0, s] - 2.0 * vecs_v[1, s]
                      - vecs_v[2, s] + vecs_v[3, s])

    def fill(i, carry):
        base = i * 64
        buf_v[pl.ds(base, 16)] = chunks[0]
        buf_v[pl.ds(base + 16, 16)] = chunks[1]
        buf_v[pl.ds(base + 32, 16)] = chunks[0]
        buf_v[pl.ds(base + 48, 16)] = chunks[1]
        return carry

    lax.fori_loop(0, _BUF // 64, fill, 0)

    @pl.when(sid == 0)
    def _():
        pltpu.sync_copy(buf_v, shared_v)

    plsc.subcore_barrier()

    base = wid * _PER_W
    copies = [
        pltpu.async_copy(shared_v, out_hbm.at[pl.ds(base + i * _BUF, _BUF)],
                         sem)
        for i in range(_NDMA)
    ]
    for c in copies:
        c.wait()


@functools.partial(jax.jit, static_argnums=())
def _broadcast_fill(lat, c0, c1, c2):
    mesh = plsc.VectorSubcoreMesh(core_axis_name="c", subcore_axis_name="s")
    f = functools.partial(
        pl.kernel,
        mesh=mesh,
        out_type=jax.ShapeDtypeStruct((_N,), jnp.float32),
        scratch_types=[
            pltpu.VMEM((4, _D), jnp.float32),
            pltpu.VMEM((_BUF,), jnp.float32),
            pltpu.VMEM_SHARED((_BUF,), jnp.float32),
            pltpu.SemaphoreType.DMA,
        ],
    )(_fill_body)
    return f(lat, c0, c1, c2)


def kernel(latent_representation, codebook0, codebook1, codebook2):
    out = _broadcast_fill(
        latent_representation.reshape(_D),
        codebook0[0],
        codebook1[0],
        codebook2[0],
    )
    return out.reshape(1, _K, _K, _K, _D)

# --- scband reference (transcript-rebuilt; emitter-appended) ---
"""Pipeline reference for scband-residual-quantizer-89283780149717 (READ-ONLY COPY).

The authoritative reference and input builder live on the scoring server;
editing this copy changes nothing except your own understanding.
"""

import jax, jax.numpy as jnp
import numpy as np

K = 64
D = 32


def _cdist(x1, x2):
    # torch.cdist with batch-dim broadcasting (p=2)
    diff = x1[..., :, None, :] - x2[..., None, :, :]
    return jnp.sqrt(jnp.sum(diff * diff, axis=-1))


def setup_inputs(seed: int = 0) -> dict:
    key = jax.random.key(seed)
    k1, k2, k3, k4 = jax.random.split(key, 4)
    return {
        "latent_representation": jax.random.normal(k1, (1, D), dtype=jnp.float32),
        "codebook0": jax.random.normal(k2, (K, D), dtype=jnp.float32),
        "codebook1": jax.random.normal(k3, (K, D), dtype=jnp.float32),
        "codebook2": jax.random.normal(k4, (K, D), dtype=jnp.float32),
    }


def reference(latent_representation, codebook0, codebook1, codebook2):
    codebooks = [codebook0, codebook1, codebook2]
    latent = latent_representation
    residuals = [latent]
    quantized_representation = None
    for i, codebook in enumerate(codebooks):
        # torch: distances = torch.cdist(latent.unsqueeze(1), codebook.unsqueeze(0))
        distances = _cdist(jnp.expand_dims(latent, 1), jnp.expand_dims(codebook, 0))
        # torch: _, nearest_indices = distances.min(dim=1)  (dim 1 has size 1 -> all zeros)
        nearest_indices = jnp.argmin(distances, axis=1)
        # torch: quantized_residual = codebook[nearest_indices]
        quantized_residual = jnp.take(codebook, nearest_indices, axis=0)
        if i < len(codebooks) - 1:
            residual = latent - quantized_residual  # broadcasts, rank grows each stage
            residuals.append(residual)
            latent = residual
        else:
            quantized_representation = sum(residuals) + quantized_residual
    return quantized_representation

if __name__ == "__main__":
    import jax
    _d = setup_inputs()
    print(jax.jit(kernel)(*tuple(_d.values())))

</pallas_src>

<mosaic_0001>
#map = affine_map<(d0, d1) -> (0)>
module attributes {stable_mosaic.version = 14 : i64} {
  func.func @_fill_body(%arg0: i32, %arg1: i32, %arg2: memref<32xf32, #tpu.memory_space<hbm>>, %arg3: memref<32xf32, #tpu.memory_space<hbm>>, %arg4: memref<32xf32, #tpu.memory_space<hbm>>, %arg5: memref<32xf32, #tpu.memory_space<hbm>>, %arg6: memref<8388608xf32, #tpu.memory_space<hbm>>, %arg7: memref<4x32xf32, #tpu.memory_space<vmem>>, %arg8: memref<16384xf32, #tpu.memory_space<vmem>>, %arg9: memref<16384xf32, #tpu.memory_space<vmem_shared>>, %arg10: memref<!tpu.dma_semaphore, #tpu.memory_space<semaphore_mem>>) attributes {dimension_semantics = [#tpu.dimension_semantics<core_parallel>, #tpu.dimension_semantics<subcore_parallel>], iteration_bounds = array<i64: 2, 16>, scalar_prefetch = 0 : i64, scratch_operands = 4 : i64, tpu.core_type = #tpu.core_type<sc_vector_subcore>, window_params = [{transform_indices = #map}, {transform_indices = #map}, {transform_indices = #map}, {transform_indices = #map}, {transform_indices = #map}]} {
    %mul3A = arith.constant 16 : i32
    %mul3A_0 = arith.muli %arg0, %mul3A : i32
    %add3A = arith.addi %mul3A_0, %arg1 : i32
    %run_scoped3A = arith.constant 0 : i32
    "tpu.region"() ({
      %run_scoped3A_131 = tpu.sem_alloc : memref<!tpu.dma_semaphore, #tpu.memory_space<semaphore_mem>>
      %dma_start3A_132 = arith.constant 0 : i32
      %dma_start3A_133 = tpu.memref_slice %arg7[%run_scoped3A, %dma_start3A_132] : memref<4x32xf32, #tpu.memory_space<vmem>> -> memref<1x32xf32, #tpu.memory_space<vmem>>
      %dma_start3A_134 = tpu.memref_squeeze %dma_start3A_133 : memref<1x32xf32, #tpu.memory_space<vmem>> -> memref<32xf32, #tpu.memory_space<vmem>>
      %dma_start3A_135 = arith.constant 0 : i32
      %dma_start3A_136 = tpu.memref_slice %arg7[%run_scoped3A, %dma_start3A_135] : memref<4x32xf32, #tpu.memory_space<vmem>> -> memref<1x32xf32, #tpu.memory_space<vmem>>
      %dma_start3A_137 = tpu.memref_squeeze %dma_start3A_136 : memref<1x32xf32, #tpu.memory_space<vmem>> -> memref<32xf32, #tpu.memory_space<vmem>>
      tpu.enqueue_dma source(%arg2 : memref<32xf32, #tpu.memory_space<hbm>>) target(%dma_start3A_137 : memref<32xf32, #tpu.memory_space<vmem>>) target_semaphore(%run_scoped3A_131 : memref<!tpu.dma_semaphore, #tpu.memory_space<semaphore_mem>>)
      %dma_wait3A_138 = arith.constant 0 : i32
      %dma_wait3A_139 = tpu.memref_slice %arg7[%run_scoped3A, %dma_wait3A_138] : memref<4x32xf32, #tpu.memory_space<vmem>> -> memref<1x32xf32, #tpu.memory_space<vmem>>
      %dma_wait3A_140 = tpu.memref_squeeze %dma_wait3A_139 : memref<1x32xf32, #tpu.memory_space<vmem>> -> memref<32xf32, #tpu.memory_space<vmem>>
      %dma_wait3A_141 = arith.constant 0 : i32
      %dma_wait3A_142 = tpu.memref_slice %arg7[%run_scoped3A, %dma_wait3A_141] : memref<4x32xf32, #tpu.memory_space<vmem>> -> memref<1x32xf32, #tpu.memory_space<vmem>>
      %dma_wait3A_143 = tpu.memref_squeeze %dma_wait3A_142 : memref<1x32xf32, #tpu.memory_space<vmem>> -> memref<32xf32, #tpu.memory_space<vmem>>
      tpu.wait_dma2 semaphore(%run_scoped3A_131 : memref<!tpu.dma_semaphore, #tpu.memory_space<semaphore_mem>>) src(%arg2 : memref<32xf32, #tpu.memory_space<hbm>>) dst(%dma_wait3A_143 : memref<32xf32, #tpu.memory_space<vmem>>)
      tpu.yield
    }) : () -> ()
    %run_scoped3A_1 = arith.constant 1 : i32
    "tpu.region"() ({
      %run_scoped3A_131 = tpu.sem_alloc : memref<!tpu.dma_semaphore, #tpu.memory_space<semaphore_mem>>
      %dma_start3A_132 = arith.constant 0 : i32
      %dma_start3A_133 = tpu.memref_slice %arg7[%run_scoped3A_1, %dma_start3A_132] : memref<4x32xf32, #tpu.memory_space<vmem>> -> memref<1x32xf32, #tpu.memory_space<vmem>>
      %dma_start3A_134 = tpu.memref_squeeze %dma_start3A_133 : memref<1x32xf32, #tpu.memory_space<vmem>> -> memref<32xf32, #tpu.memory_space<vmem>>
      %dma_start3A_135 = arith.constant 0 : i32
      %dma_start3A_136 = tpu.memref_slice %arg7[%run_scoped3A_1, %dma_start3A_135] : memref<4x32xf32, #tpu.memory_space<vmem>> -> memref<1x32xf32, #tpu.memory_space<vmem>>
      %dma_start3A_137 = tpu.memref_squeeze %dma_start3A_136 : memref<1x32xf32, #tpu.memory_space<vmem>> -> memref<32xf32, #tpu.memory_space<vmem>>
      tpu.enqueue_dma source(%arg3 : memref<32xf32, #tpu.memory_space<hbm>>) target(%dma_start3A_137 : memref<32xf32, #tpu.memory_space<vmem>>) target_semaphore(%run_scoped3A_131 : memref<!tpu.dma_semaphore, #tpu.memory_space<semaphore_mem>>)
      %dma_wait3A_138 = arith.constant 0 : i32
      %dma_wait3A_139 = tpu.memref_slice %arg7[%run_scoped3A_1, %dma_wait3A_138] : memref<4x32xf32, #tpu.memory_space<vmem>> -> memref<1x32xf32, #tpu.memory_space<vmem>>
      %dma_wait3A_140 = tpu.memref_squeeze %dma_wait3A_139 : memref<1x32xf32, #tpu.memory_space<vmem>> -> memref<32xf32, #tpu.memory_space<vmem>>
      %dma_wait3A_141 = arith.constant 0 : i32
      %dma_wait3A_142 = tpu.memref_slice %arg7[%run_scoped3A_1, %dma_wait3A_141] : memref<4x32xf32, #tpu.memory_space<vmem>> -> memref<1x32xf32, #tpu.memory_space<vmem>>
      %dma_wait3A_143 = tpu.memref_squeeze %dma_wait3A_142 : memref<1x32xf32, #tpu.memory_space<vmem>> -> memref<32xf32, #tpu.memory_space<vmem>>
      tpu.wait_dma2 semaphore(%run_scoped3A_131 : memref<!tpu.dma_semaphore, #tpu.memory_space<semaphore_mem>>) src(%arg3 : memref<32xf32, #tpu.memory_space<hbm>>) dst(%dma_wait3A_143 : memref<32xf32, #tpu.memory_space<vmem>>)
      tpu.yield
    }) : () -> ()
    %run_scoped3A_2 = arith.constant 2 : i32
    "tpu.region"() ({
      %run_scoped3A_131 = tpu.sem_alloc : memref<!tpu.dma_semaphore, #tpu.memory_space<semaphore_mem>>
      %dma_start3A_132 = arith.constant 0 : i32
      %dma_start3A_133 = tpu.memref_slice %arg7[%run_scoped3A_2, %dma_start3A_132] : memref<4x32xf32, #tpu.memory_space<vmem>> -> memref<1x32xf32, #tpu.memory_space<vmem>>
      %dma_start3A_134 = tpu.memref_squeeze %dma_start3A_133 : memref<1x32xf32, #tpu.memory_space<vmem>> -> memref<32xf32, #tpu.memory_space<vmem>>
      %dma_start3A_135 = arith.constant 0 : i32
      %dma_start3A_136 = tpu.memref_slice %arg7[%run_scoped3A_2, %dma_start3A_135] : memref<4x32xf32, #tpu.memory_space<vmem>> -> memref<1x32xf32, #tpu.memory_space<vmem>>
      %dma_start3A_137 = tpu.memref_squeeze %dma_start3A_136 : memref<1x32xf32, #tpu.memory_space<vmem>> -> memref<32xf32, #tpu.memory_space<vmem>>
      tpu.enqueue_dma source(%arg4 : memref<32xf32, #tpu.memory_space<hbm>>) target(%dma_start3A_137 : memref<32xf32, #tpu.memory_space<vmem>>) target_semaphore(%run_scoped3A_131 : memref<!tpu.dma_semaphore, #tpu.memory_space<semaphore_mem>>)
      %dma_wait3A_138 = arith.constant 0 : i32
      %dma_wait3A_139 = tpu.memref_slice %arg7[%run_scoped3A_2, %dma_wait3A_138] : memref<4x32xf32, #tpu.memory_space<vmem>> -> memref<1x32xf32, #tpu.memory_space<vmem>>
      %dma_wait3A_140 = tpu.memref_squeeze %dma_wait3A_139 : memref<1x32xf32, #tpu.memory_space<vmem>> -> memref<32xf32, #tpu.memory_space<vmem>>
      %dma_wait3A_141 = arith.constant 0 : i32
      %dma_wait3A_142 = tpu.memref_slice %arg7[%run_scoped3A_2, %dma_wait3A_141] : memref<4x32xf32, #tpu.memory_space<vmem>> -> memref<1x32xf32, #tpu.memory_space<vmem>>
      %dma_wait3A_143 = tpu.memref_squeeze %dma_wait3A_142 : memref<1x32xf32, #tpu.memory_space<vmem>> -> memref<32xf32, #tpu.memory_space<vmem>>
      tpu.wait_dma2 semaphore(%run_scoped3A_131 : memref<!tpu.dma_semaphore, #tpu.memory_space<semaphore_mem>>) src(%arg4 : memref<32xf32, #tpu.memory_space<hbm>>) dst(%dma_wait3A_143 : memref<32xf32, #tpu.memory_space<vmem>>)
      tpu.yield
    }) : () -> ()
    %run_scoped3A_3 = arith.constant 3 : i32
    "tpu.region"() ({
      %run_scoped3A_131 = tpu.sem_alloc : memref<!tpu.dma_semaphore, #tpu.memory_space<semaphore_mem>>
      %dma_start3A_132 = arith.constant 0 : i32
      %dma_start3A_133 = tpu.memref_slice %arg7[%run_scoped3A_3, %dma_start3A_132] : memref<4x32xf32, #tpu.memory_space<vmem>> -> memref<1x32xf32, #tpu.memory_space<vmem>>
      %dma_start3A_134 = tpu.memref_squeeze %dma_start3A_133 : memref<1x32xf32, #tpu.memory_space<vmem>> -> memref<32xf32, #tpu.memory_space<vmem>>
      %dma_start3A_135 = arith.constant 0 : i32
      %dma_start3A_136 = tpu.memref_slice %arg7[%run_scoped3A_3, %dma_start3A_135] : memref<4x32xf32, #tpu.memory_space<vmem>> -> memref<1x32xf32, #tpu.memory_space<vmem>>
      %dma_start3A_137 = tpu.memref_squeeze %dma_start3A_136 : memref<1x32xf32, #tpu.memory_space<vmem>> -> memref<32xf32, #tpu.memory_space<vmem>>
      tpu.enqueue_dma source(%arg5 : memref<32xf32, #tpu.memory_space<hbm>>) target(%dma_start3A_137 : memref<32xf32, #tpu.memory_space<vmem>>) target_semaphore(%run_scoped3A_131 : memref<!tpu.dma_semaphore, #tpu.memory_space<semaphore_mem>>)
      %dma_wait3A_138 = arith.constant 0 : i32
      %dma_wait3A_139 = tpu.memref_slice %arg7[%run_scoped3A_3, %dma_wait3A_138] : memref<4x32xf32, #tpu.memory_space<vmem>> -> memref<1x32xf32, #tpu.memory_space<vmem>>
      %dma_wait3A_140 = tpu.memref_squeeze %dma_wait3A_139 : memref<1x32xf32, #tpu.memory_space<vmem>> -> memref<32xf32, #tpu.memory_space<vmem>>
      %dma_wait3A_141 = arith.constant 0 : i32
      %dma_wait3A_142 = tpu.memref_slice %arg7[%run_scoped3A_3, %dma_wait3A_141] : memref<4x32xf32, #tpu.memory_space<vmem>> -> memref<1x32xf32, #tpu.memory_space<vmem>>
      %dma_wait3A_143 = tpu.memref_squeeze %dma_wait3A_142 : memref<1x32xf32, #tpu.memory_space<vmem>> -> memref<32xf32, #tpu.memory_space<vmem>>
      tpu.wait_dma2 semaphore(%run_scoped3A_131 : memref<!tpu.dma_semaphore, #tpu.memory_space<semaphore_mem>>) src(%arg5 : memref<32xf32, #tpu.memory_space<hbm>>) dst(%dma_wait3A_143 : memref<32xf32, #tpu.memory_space<vmem>>)
      tpu.yield
    }) : () -> ()
    %get3A = arith.constant 0 : i32
    %get3A_4 = arith.index_cast %get3A : i32 to index
    %get3A_5 = arith.constant 0 : index
    %get3A_6 = tpu.vector_load %arg7[%get3A_4, %get3A_5] {strides = array<i32>} : memref<4x32xf32, #tpu.memory_space<vmem>>, vector<1x16xf32>,
    %get3A_7 = vector.shape_cast %get3A_6 : vector<1x16xf32> to vector<16xf32>
    %mul3A_8 = arith.constant 3.000000e+00 : f32
    %mul3A_9 = vector.broadcast %mul3A_8 : f32 to vector<16xf32>
    %mul3A_10 = arith.mulf %mul3A_9, %get3A_7 : vector<16xf32>
    %get3A_11 = arith.constant 1 : i32
    %get3A_12 = arith.index_cast %get3A_11 : i32 to index
    %get3A_13 = arith.constant 0 : index
    %get3A_14 = tpu.vector_load %arg7[%get3A_12, %get3A_13] {strides = array<i32>} : memref<4x32xf32, #tpu.memory_space<vmem>>, vector<1x16xf32>,
    %get3A_15 = vector.shape_cast %get3A_14 : vector<1x16xf32> to vector<16xf32>
    %mul3A_16 = arith.constant 2.000000e+00 : f32
    %mul3A_17 = vector.broadcast %mul3A_16 : f32 to vector<16xf32>
    %mul3A_18 = arith.mulf %mul3A_17, %get3A_15 : vector<16xf32>
    %sub3A = arith.subf %mul3A_10, %mul3A_18 : vector<16xf32>
    %get3A_19 = arith.constant 2 : i32
    %get3A_20 = arith.index_cast %get3A_19 : i32 to index
    %get3A_21 = arith.constant 0 : index
    %get3A_22 = tpu.vector_load %arg7[%get3A_20, %get3A_21] {strides = array<i32>} : memref<4x32xf32, #tpu.memory_space<vmem>>, vector<1x16xf32>,
    %get3A_23 = vector.shape_cast %get3A_22 : vector<1x16xf32> to vector<16xf32>
    %sub3A_24 = arith.subf %sub3A, %get3A_23 : vector<16xf32>
    %get3A_25 = arith.constant 3 : i32
    %get3A_26 = arith.index_cast %get3A_25 : i32 to index
    %get3A_27 = arith.constant 0 : index
    %get3A_28 = tpu.vector_load %arg7[%get3A_26, %get3A_27] {strides = array<i32>} : memref<4x32xf32, #tpu.memory_space<vmem>>, vector<1x16xf32>,
    %get3A_29 = vector.shape_cast %get3A_28 : vector<1x16xf32> to vector<16xf32>
    %add3A_30 = arith.addf %sub3A_24, %get3A_29 : vector<16xf32>
    %get3A_31 = arith.constant 0 : i32
    %get3A_32 = arith.index_cast %get3A_31 : i32 to index
    %get3A_33 = arith.constant 16 : index
    %get3A_34 = tpu.vector_load %arg7[%get3A_32, %get3A_33] {strides = array<i32>} : memref<4x32xf32, #tpu.memory_space<vmem>>, vector<1x16xf32>,
    %get3A_35 = vector.shape_cast %get3A_34 : vector<1x16xf32> to vector<16xf32>
    %mul3A_36 = arith.constant 3.000000e+00 : f32
    %mul3A_37 = vector.broadcast %mul3A_36 : f32 to vector<16xf32>
    %mul3A_38 = arith.mulf %mul3A_37, %get3A_35 : vector<16xf32>
    %get3A_39 = arith.constant 1 : i32
    %get3A_40 = arith.index_cast %get3A_39 : i32 to index
    %get3A_41 = arith.constant 16 : index
    %get3A_42 = tpu.vector_load %arg7[%get3A_40, %get3A_41] {strides = array<i32>} : memref<4x32xf32, #tpu.memory_space<vmem>>, vector<1x16xf32>,
    %get3A_43 = vector.shape_cast %get3A_42 : vector<1x16xf32> to vector<16xf32>
    %mul3A_44 = arith.constant 2.000000e+00 : f32
    %mul3A_45 = vector.broadcast %mul3A_44 : f32 to vector<16xf32>
    %mul3A_46 = arith.mulf %mul3A_45, %get3A_43 : vector<16xf32>
    %sub3A_47 = arith.subf %mul3A_38, %mul3A_46 : vector<16xf32>
    %get3A_48 = arith.constant 2 : i32
    %get3A_49 = arith.index_cast %get3A_48 : i32 to index
    %get3A_50 = arith.constant 16 : index
    %get3A_51 = tpu.vector_load %arg7[%get3A_49, %get3A_50] {strides = array<i32>} : memref<4x32xf32, #tpu.memory_space<vmem>>, vector<1x16xf32>,
    %get3A_52 = vector.shape_cast %get3A_51 : vector<1x16xf32> to vector<16xf32>
    %sub3A_53 = arith.subf %sub3A_47, %get3A_52 : vector<16xf32>
    %get3A_54 = arith.constant 3 : i32
    %get3A_55 = arith.index_cast %get3A_54 : i32 to index
    %get3A_56 = arith.constant 16 : index
    %get3A_57 = tpu.vector_load %arg7[%get3A_55, %get3A_56] {strides = array<i32>} : memref<4x32xf32, #tpu.memory_space<vmem>>, vector<1x16xf32>,
    %get3A_58 = vector.shape_cast %get3A_57 : vector<1x16xf32> to vector<16xf32>
    %add3A_59 = arith.addf %sub3A_53, %get3A_58 : vector<16xf32>
    %scan3A = arith.constant 0 : i32
    %scan3A_60 = arith.constant 0 : i32
    %scan3A_61 = arith.constant 256 : i32
    %scan3A_62 = arith.addi %scan3A_60, %scan3A_61 : i32
    %scan3A_63 = arith.constant 1 : i32
    scf.for %scan3A_131 = %scan3A_60 to %scan3A_62 step %scan3A_63  : i32 {
      %mul3A_132 = arith.constant 64 : i32
      %mul3A_133 = arith.muli %scan3A_131, %mul3A_132 : i32
      %swap3A = arith.index_cast %mul3A_133 : i32 to index
      %swap3A_134 = tpu.vector_load %arg8[%swap3A] {strides = array<i32>} : memref<16384xf32, #tpu.memory_space<vmem>>, vector<16xf32>,
      %swap3A_135 = vector.shape_cast %swap3A_134 : vector<16xf32> to vector<16xf32>
      %swap3A_136 = vector.shape_cast %add3A_30 : vector<16xf32> to vector<16xf32>
      tpu.vector_store %arg8[%swap3A], %swap3A_136 {strides = array<i32>} : memref<16384xf32, #tpu.memory_space<vmem>>, vector<16xf32>,
      %add3A_137 = arith.constant 16 : i32
      %add3A_138 = arith.addi %mul3A_133, %add3A_137 : i32
      %swap3A_139 = arith.index_cast %add3A_138 : i32 to index
      %swap3A_140 = tpu.vector_load %arg8[%swap3A_139] {strides = array<i32>} : memref<16384xf32, #tpu.memory_space<vmem>>, vector<16xf32>,
      %swap3A_141 = vector.shape_cast %swap3A_140 : vector<16xf32> to vector<16xf32>
      %swap3A_142 = vector.shape_cast %add3A_59 : vector<16xf32> to vector<16xf32>
      tpu.vector_store %arg8[%swap3A_139], %swap3A_142 {strides = array<i32>} : memref<16384xf32, #tpu.memory_space<vmem>>, vector<16xf32>,
      %add3A_143 = arith.constant 32 : i32
      %add3A_144 = arith.addi %mul3A_133, %add3A_143 : i32
      %swap3A_145 = arith.index_cast %add3A_144 : i32 to index
      %swap3A_146 = tpu.vector_load %arg8[%swap3A_145] {strides = array<i32>} : memref<16384xf32, #tpu.memory_space<vmem>>, vector<16xf32>,
      %swap3A_147 = vector.shape_cast %swap3A_146 : vector<16xf32> to vector<16xf32>
      %swap3A_148 = vector.shape_cast %add3A_30 : vector<16xf32> to vector<16xf32>
      tpu.vector_store %arg8[%swap3A_145], %swap3A_148 {strides = array<i32>} : memref<16384xf32, #tpu.memory_space<vmem>>, vector<16xf32>,
      %add3A_149 = arith.constant 48 : i32
      %add3A_150 = arith.addi %mul3A_133, %add3A_149 : i32
      %swap3A_151 = arith.index_cast %add3A_150 : i32 to index
      %swap3A_152 = tpu.vector_load %arg8[%swap3A_151] {strides = array<i32>} : memref<16384xf32, #tpu.memory_space<vmem>>, vector<16xf32>,
      %swap3A_153 = vector.shape_cast %swap3A_152 : vector<16xf32> to vector<16xf32>
      %swap3A_154 = vector.shape_cast %add3A_59 : vector<16xf32> to vector<16xf32>
      tpu.vector_store %arg8[%swap3A_151], %swap3A_154 {strides = array<i32>} : memref<16384xf32, #tpu.memory_space<vmem>>, vector<16xf32>,
    }
    %scan3A_64 = arith.constant 256 : i32
    %eq3A = arith.constant 0 : i32
    %eq3A_65 = arith.cmpi eq, %arg1, %eq3A : i32
    %convert_element_type3A = arith.extui %eq3A_65 : i1 to i32
    %cond3A = arith.constant 0 : i32
    %cond3A_66 = arith.cmpi ne, %convert_element_type3A, %cond3A : i32
    scf.if %cond3A_66 {
      "tpu.region"() ({
        %run_scoped3A_131 = tpu.sem_alloc : memref<!tpu.dma_semaphore, #tpu.memory_space<semaphore_mem>>
        tpu.enqueue_dma source(%arg8 : memref<16384xf32, #tpu.memory_space<vmem>>) target(%arg9 : memref<16384xf32, #tpu.memory_space<vmem_shared>>) target_semaphore(%run_scoped3A_131 : memref<!tpu.dma_semaphore, #tpu.memory_space<semaphore_mem>>)
        tpu.wait_dma2 semaphore(%run_scoped3A_131 : memref<!tpu.dma_semaphore, #tpu.memory_space<semaphore_mem>>) src(%arg8 : memref<16384xf32, #tpu.memory_space<vmem>>) dst(%arg9 : memref<16384xf32, #tpu.memory_space<vmem_shared>>)
        tpu.yield
      }) : () -> ()
    } else {
    }
    %barrier3A = arith.constant 0 : index
    tpu.barrier barrier_id(%barrier3A)
    %mul3A_67 = arith.constant 262144 : i32
    %mul3A_68 = arith.muli %add3A, %mul3A_67 : i32
    %add3A_69 = arith.constant 0 : i32
    %add3A_70 = arith.addi %mul3A_68, %add3A_69 : i32
    %dma_start3A = tpu.memref_slice %arg6[%add3A_70] : memref<8388608xf32, #tpu.memory_space<hbm>> -> memref<16384xf32, #tpu.memory_space<hbm>>
    tpu.enqueue_dma source(%arg9 : memref<16384xf32, #tpu.memory_space<vmem_shared>>) target(%dma_start3A : memref<16384xf32, #tpu.memory_space<hbm>>) target_semaphore(%arg10 : memref<!tpu.dma_semaphore, #tpu.memory_space<semaphore_mem>>)
    %add3A_71 = arith.constant 16384 : i32
    %add3A_72 = arith.addi %mul3A_68, %add3A_71 : i32
    %dma_start3A_73 = tpu.memref_slice %arg6[%add3A_72] : memref<8388608xf32, #tpu.memory_space<hbm>> -> memref<16384xf32, #tpu.memory_space<hbm>>
    tpu.enqueue_dma source(%arg9 : memref<16384xf32, #tpu.memory_space<vmem_shared>>) target(%dma_start3A_73 : memref<16384xf32, #tpu.memory_space<hbm>>) target_semaphore(%arg10 : memref<!tpu.dma_semaphore, #tpu.memory_space<semaphore_mem>>)
    %add3A_74 = arith.constant 32768 : i32
    %add3A_75 = arith.addi %mul3A_68, %add3A_74 : i32
    %dma_start3A_76 = tpu.memref_slice %arg6[%add3A_75] : memref<8388608xf32, #tpu.memory_space<hbm>> -> memref<16384xf32, #tpu.memory_space<hbm>>
    tpu.enqueue_dma source(%arg9 : memref<16384xf32, #tpu.memory_space<vmem_shared>>) target(%dma_start3A_76 : memref<16384xf32, #tpu.memory_space<hbm>>) target_semaphore(%arg10 : memref<!tpu.dma_semaphore, #tpu.memory_space<semaphore_mem>>)
    %add3A_77 = arith.constant 49152 : i32
    %add3A_78 = arith.addi %mul3A_68, %add3A_77 : i32
    %dma_start3A_79 = tpu.memref_slice %arg6[%add3A_78] : memref<8388608xf32, #tpu.memory_space<hbm>> -> memref<16384xf32, #tpu.memory_space<hbm>>
    tpu.enqueue_dma source(%arg9 : memref<16384xf32, #tpu.memory_space<vmem_shared>>) target(%dma_start3A_79 : memref<16384xf32, #tpu.memory_space<hbm>>) target_semaphore(%arg10 : memref<!tpu.dma_semaphore, #tpu.memory_space<semaphore_mem>>)
    %add3A_80 = arith.constant 65536 : i32
    %add3A_81 = arith.addi %mul3A_68, %add3A_80 : i32
    %dma_start3A_82 = tpu.memref_slice %arg6[%add3A_81] : memref<8388608xf32, #tpu.memory_space<hbm>> -> memref<16384xf32, #tpu.memory_space<hbm>>
    tpu.enqueue_dma source(%arg9 : memref<16384xf32, #tpu.memory_space<vmem_shared>>) target(%dma_start3A_82 : memref<16384xf32, #tpu.memory_space<hbm>>) target_semaphore(%arg10 : memref<!tpu.dma_semaphore, #tpu.memory_space<semaphore_mem>>)
    %add3A_83 = arith.constant 81920 : i32
    %add3A_84 = arith.addi %mul3A_68, %add3A_83 : i32
    %dma_start3A_85 = tpu.memref_slice %arg6[%add3A_84] : memref<8388608xf32, #tpu.memory_space<hbm>> -> memref<16384xf32, #tpu.memory_space<hbm>>
    tpu.enqueue_dma source(%arg9 : memref<16384xf32, #tpu.memory_space<vmem_shared>>) target(%dma_start3A_85 : memref<16384xf32, #tpu.memory_space<hbm>>) target_semaphore(%arg10 : memref<!tpu.dma_semaphore, #tpu.memory_space<semaphore_mem>>)
    %add3A_86 = arith.constant 98304 : i32
    %add3A_87 = arith.addi %mul3A_68, %add3A_86 : i32
    %dma_start3A_88 = tpu.memref_slice %arg6[%add3A_87] : memref<8388608xf32, #tpu.memory_space<hbm>> -> memref<16384xf32, #tpu.memory_space<hbm>>
    tpu.enqueue_dma source(%arg9 : memref<16384xf32, #tpu.memory_space<vmem_shared>>) target(%dma_start3A_88 : memref<16384xf32, #tpu.memory_space<hbm>>) target_semaphore(%arg10 : memref<!tpu.dma_semaphore, #tpu.memory_space<semaphore_mem>>)
    %add3A_89 = arith.constant 114688 : i32
    %add3A_90 = arith.addi %mul3A_68, %add3A_89 : i32
    %dma_start3A_91 = tpu.memref_slice %arg6[%add3A_90] : memref<8388608xf32, #tpu.memory_space<hbm>> -> memref<16384xf32, #tpu.memory_space<hbm>>
    tpu.enqueue_dma source(%arg9 : memref<16384xf32, #tpu.memory_space<vmem_shared>>) target(%dma_start3A_91 : memref<16384xf32, #tpu.memory_space<hbm>>) target_semaphore(%arg10 : memref<!tpu.dma_semaphore, #tpu.memory_space<semaphore_mem>>)
    %add3A_92 = arith.constant 131072 : i32
    %add3A_93 = arith.addi %mul3A_68, %add3A_92 : i32
    %dma_start3A_94 = tpu.memref_slice %arg6[%add3A_93] : memref<8388608xf32, #tpu.memory_space<hbm>> -> memref<16384xf32, #tpu.memory_space<hbm>>
    tpu.enqueue_dma source(%arg9 : memref<16384xf32, #tpu.memory_space<vmem_shared>>) target(%dma_start3A_94 : memref<16384xf32, #tpu.memory_space<hbm>>) target_semaphore(%arg10 : memref<!tpu.dma_semaphore, #tpu.memory_space<semaphore_mem>>)
    %add3A_95 = arith.constant 147456 : i32
    %add3A_96 = arith.addi %mul3A_68, %add3A_95 : i32
    %dma_start3A_97 = tpu.memref_slice %arg6[%add3A_96] : memref<8388608xf32, #tpu.memory_space<hbm>> -> memref<16384xf32, #tpu.memory_space<hbm>>
    tpu.enqueue_dma source(%arg9 : memref<16384xf32, #tpu.memory_space<vmem_shared>>) target(%dma_start3A_97 : memref<16384xf32, #tpu.memory_space<hbm>>) target_semaphore(%arg10 : memref<!tpu.dma_semaphore, #tpu.memory_space<semaphore_mem>>)
    %add3A_98 = arith.constant 163840 : i32
    %add3A_99 = arith.addi %mul3A_68, %add3A_98 : i32
    %dma_start3A_100 = tpu.memref_slice %arg6[%add3A_99] : memref<8388608xf32, #tpu.memory_space<hbm>> -> memref<16384xf32, #tpu.memory_space<hbm>>
    tpu.enqueue_dma source(%arg9 : memref<16384xf32, #tpu.memory_space<vmem_shared>>) target(%dma_start3A_100 : memref<16384xf32, #tpu.memory_space<hbm>>) target_semaphore(%arg10 : memref<!tpu.dma_semaphore, #tpu.memory_space<semaphore_mem>>)
    %add3A_101 = arith.constant 180224 : i32
    %add3A_102 = arith.addi %mul3A_68, %add3A_101 : i32
    %dma_start3A_103 = tpu.memref_slice %arg6[%add3A_102] : memref<8388608xf32, #tpu.memory_space<hbm>> -> memref<16384xf32, #tpu.memory_space<hbm>>
    tpu.enqueue_dma source(%arg9 : memref<16384xf32, #tpu.memory_space<vmem_shared>>) target(%dma_start3A_103 : memref<16384xf32, #tpu.memory_space<hbm>>) target_semaphore(%arg10 : memref<!tpu.dma_semaphore, #tpu.memory_space<semaphore_mem>>)
    %add3A_104 = arith.constant 196608 : i32
    %add3A_105 = arith.addi %mul3A_68, %add3A_104 : i32
    %dma_start3A_106 = tpu.memref_slice %arg6[%add3A_105] : memref<8388608xf32, #tpu.memory_space<hbm>> -> memref<16384xf32, #tpu.memory_space<hbm>>
    tpu.enqueue_dma source(%arg9 : memref<16384xf32, #tpu.memory_space<vmem_shared>>) target(%dma_start3A_106 : memref<16384xf32, #tpu.memory_space<hbm>>) target_semaphore(%arg10 : memref<!tpu.dma_semaphore, #tpu.memory_space<semaphore_mem>>)
    %add3A_107 = arith.constant 212992 : i32
    %add3A_108 = arith.addi %mul3A_68, %add3A_107 : i32
    %dma_start3A_109 = tpu.memref_slice %arg6[%add3A_108] : memref<8388608xf32, #tpu.memory_space<hbm>> -> memref<16384xf32, #tpu.memory_space<hbm>>
    tpu.enqueue_dma source(%arg9 : memref<16384xf32, #tpu.memory_space<vmem_shared>>) target(%dma_start3A_109 : memref<16384xf32, #tpu.memory_space<hbm>>) target_semaphore(%arg10 : memref<!tpu.dma_semaphore, #tpu.memory_space<semaphore_mem>>)
    %add3A_110 = arith.constant 229376 : i32
    %add3A_111 = arith.addi %mul3A_68, %add3A_110 : i32
    %dma_start3A_112 = tpu.memref_slice %arg6[%add3A_111] : memref<8388608xf32, #tpu.memory_space<hbm>> -> memref<16384xf32, #tpu.memory_space<hbm>>
    tpu.enqueue_dma source(%arg9 : memref<16384xf32, #tpu.memory_space<vmem_shared>>) target(%dma_start3A_112 : memref<16384xf32, #tpu.memory_space<hbm>>) target_semaphore(%arg10 : memref<!tpu.dma_semaphore, #tpu.memory_space<semaphore_mem>>)
    %add3A_113 = arith.constant 245760 : i32
    %add3A_114 = arith.addi %mul3A_68, %add3A_113 : i32
    %dma_start3A_115 = tpu.memref_slice %arg6[%add3A_114] : memref<8388608xf32, #tpu.memory_space<hbm>> -> memref<16384xf32, #tpu.memory_space<hbm>>
    tpu.enqueue_dma source(%arg9 : memref<16384xf32, #tpu.memory_space<vmem_shared>>) target(%dma_start3A_115 : memref<16384xf32, #tpu.memory_space<hbm>>) target_semaphore(%arg10 : memref<!tpu.dma_semaphore, #tpu.memory_space<semaphore_mem>>)
    %dma_wait3A = tpu.memref_slice %arg6[%add3A_70] : memref<8388608xf32, #tpu.memory_space<hbm>> -> memref<16384xf32, #tpu.memory_space<hbm>>
    tpu.wait_dma2 semaphore(%arg10 : memref<!tpu.dma_semaphore, #tpu.memory_space<semaphore_mem>>) src(%arg9 : memref<16384xf32, #tpu.memory_space<vmem_shared>>) dst(%dma_wait3A : memref<16384xf32, #tpu.memory_space<hbm>>)
    %dma_wait3A_116 = tpu.memref_slice %arg6[%add3A_72] : memref<8388608xf32, #tpu.memory_space<hbm>> -> memref<16384xf32, #tpu.memory_space<hbm>>
    tpu.wait_dma2 semaphore(%arg10 : memref<!tpu.dma_semaphore, #tpu.memory_space<semaphore_mem>>) src(%arg9 : memref<16384xf32, #tpu.memory_space<vmem_shared>>) dst(%dma_wait3A_116 : memref<16384xf32, #tpu.memory_space<hbm>>)
    %dma_wait3A_117 = tpu.memref_slice %arg6[%add3A_75] : memref<8388608xf32, #tpu.memory_space<hbm>> -> memref<16384xf32, #tpu.memory_space<hbm>>
    tpu.wait_dma2 semaphore(%arg10 : memref<!tpu.dma_semaphore, #tpu.memory_space<semaphore_mem>>) src(%arg9 : memref<16384xf32, #tpu.memory_space<vmem_shared>>) dst(%dma_wait3A_117 : memref<16384xf32, #tpu.memory_space<hbm>>)
    %dma_wait3A_118 = tpu.memref_slice %arg6[%add3A_78] : memref<8388608xf32, #tpu.memory_space<hbm>> -> memref<16384xf32, #tpu.memory_space<hbm>>
    tpu.wait_dma2 semaphore(%arg10 : memref<!tpu.dma_semaphore, #tpu.memory_space<semaphore_mem>>) src(%arg9 : memref<16384xf32, #tpu.memory_space<vmem_shared>>) dst(%dma_wait3A_118 : memref<16384xf32, #tpu.memory_space<hbm>>)
    %dma_wait3A_119 = tpu.memref_slice %arg6[%add3A_81] : memref<8388608xf32, #tpu.memory_space<hbm>> -> memref<16384xf32, #tpu.memory_space<hbm>>
    tpu.wait_dma2 semaphore(%arg10 : memref<!tpu.dma_semaphore, #tpu.memory_space<semaphore_mem>>) src(%arg9 : memref<16384xf32, #tpu.memory_space<vmem_shared>>) dst(%dma_wait3A_119 : memref<16384xf32, #tpu.memory_space<hbm>>)
    %dma_wait3A_120 = tpu.memref_slice %arg6[%add3A_84] : memref<8388608xf32, #tpu.memory_space<hbm>> -> memref<16384xf32, #tpu.memory_space<hbm>>
    tpu.wait_dma2 semaphore(%arg10 : memref<!tpu.dma_semaphore, #tpu.memory_space<semaphore_mem>>) src(%arg9 : memref<16384xf32, #tpu.memory_space<vmem_shared>>) dst(%dma_wait3A_120 : memref<16384xf32, #tpu.memory_space<hbm>>)
    %dma_wait3A_121 = tpu.memref_slice %arg6[%add3A_87] : memref<8388608xf32, #tpu.memory_space<hbm>> -> memref<16384xf32, #tpu.memory_space<hbm>>
    tpu.wait_dma2 semaphore(%arg10 : memref<!tpu.dma_semaphore, #tpu.memory_space<semaphore_mem>>) src(%arg9 : memref<16384xf32, #tpu.memory_space<vmem_shared>>) dst(%dma_wait3A_121 : memref<16384xf32, #tpu.memory_space<hbm>>)
    %dma_wait3A_122 = tpu.memref_slice %arg6[%add3A_90] : memref<8388608xf32, #tpu.memory_space<hbm>> -> memref<16384xf32, #tpu.memory_space<hbm>>
    tpu.wait_dma2 semaphore(%arg10 : memref<!tpu.dma_semaphore, #tpu.memory_space<semaphore_mem>>) src(%arg9 : memref<16384xf32, #tpu.memory_space<vmem_shared>>) dst(%dma_wait3A_122 : memref<16384xf32, #tpu.memory_space<hbm>>)
    %dma_wait3A_123 = tpu.memref_slice %arg6[%add3A_93] : memref<8388608xf32, #tpu.memory_space<hbm>> -> memref<16384xf32, #tpu.memory_space<hbm>>
    tpu.wait_dma2 semaphore(%arg10 : memref<!tpu.dma_semaphore, #tpu.memory_space<semaphore_mem>>) src(%arg9 : memref<16384xf32, #tpu.memory_space<vmem_shared>>) dst(%dma_wait3A_123 : memref<16384xf32, #tpu.memory_space<hbm>>)
    %dma_wait3A_124 = tpu.memref_slice %arg6[%add3A_96] : memref<8388608xf32, #tpu.memory_space<hbm>> -> memref<16384xf32, #tpu.memory_space<hbm>>
    tpu.wait_dma2 semaphore(%arg10 : memref<!tpu.dma_semaphore, #tpu.memory_space<semaphore_mem>>) src(%arg9 : memref<16384xf32, #tpu.memory_space<vmem_shared>>) dst(%dma_wait3A_124 : memref<16384xf32, #tpu.memory_space<hbm>>)
    %dma_wait3A_125 = tpu.memref_slice %arg6[%add3A_99] : memref<8388608xf32, #tpu.memory_space<hbm>> -> memref<16384xf32, #tpu.memory_space<hbm>>
    tpu.wait_dma2 semaphore(%arg10 : memref<!tpu.dma_semaphore, #tpu.memory_space<semaphore_mem>>) src(%arg9 : memref<16384xf32, #tpu.memory_space<vmem_shared>>) dst(%dma_wait3A_125 : memref<16384xf32, #tpu.memory_space<hbm>>)
    %dma_wait3A_126 = tpu.memref_slice %arg6[%add3A_102] : memref<8388608xf32, #tpu.memory_space<hbm>> -> memref<16384xf32, #tpu.memory_space<hbm>>
    tpu.wait_dma2 semaphore(%arg10 : memref<!tpu.dma_semaphore, #tpu.memory_space<semaphore_mem>>) src(%arg9 : memref<16384xf32, #tpu.memory_space<vmem_shared>>) dst(%dma_wait3A_126 : memref<16384xf32, #tpu.memory_space<hbm>>)
    %dma_wait3A_127 = tpu.memref_slice %arg6[%add3A_105] : memref<8388608xf32, #tpu.memory_space<hbm>> -> memref<16384xf32, #tpu.memory_space<hbm>>
    tpu.wait_dma2 semaphore(%arg10 : memref<!tpu.dma_semaphore, #tpu.memory_space<semaphore_mem>>) src(%arg9 : memref<16384xf32, #tpu.memory_space<vmem_shared>>) dst(%dma_wait3A_127 : memref<16384xf32, #tpu.memory_space<hbm>>)
    %dma_wait3A_128 = tpu.memref_slice %arg6[%add3A_108] : memref<8388608xf32, #tpu.memory_space<hbm>> -> memref<16384xf32, #tpu.memory_space<hbm>>
    tpu.wait_dma2 semaphore(%arg10 : memref<!tpu.dma_semaphore, #tpu.memory_space<semaphore_mem>>) src(%arg9 : memref<16384xf32, #tpu.memory_space<vmem_shared>>) dst(%dma_wait3A_128 : memref<16384xf32, #tpu.memory_space<hbm>>)
    %dma_wait3A_129 = tpu.memref_slice %arg6[%add3A_111] : memref<8388608xf32, #tpu.memory_space<hbm>> -> memref<16384xf32, #tpu.memory_space<hbm>>
    tpu.wait_dma2 semaphore(%arg10 : memref<!tpu.dma_semaphore, #tpu.memory_space<semaphore_mem>>) src(%arg9 : memref<16384xf32, #tpu.memory_space<vmem_shared>>) dst(%dma_wait3A_129 : memref<16384xf32, #tpu.memory_space<hbm>>)
    %dma_wait3A_130 = tpu.memref_slice %arg6[%add3A_114] : memref<8388608xf32, #tpu.memory_space<hbm>> -> memref<16384xf32, #tpu.memory_space<hbm>>
    tpu.wait_dma2 semaphore(%arg10 : memref<!tpu.dma_semaphore, #tpu.memory_space<semaphore_mem>>) src(%arg9 : memref<16384xf32, #tpu.memory_space<vmem_shared>>) dst(%dma_wait3A_130 : memref<16384xf32, #tpu.memory_space<hbm>>)
    return
  }
}

</mosaic_0001>

<sc_bundles>
// kernel: _broadcast_fill.3.cloned.1.call-start
scs
__scs_entry_jumppad:
0x0: {  	(pc) =	sbr.rel $0x88, $3  }
0x1: {  	(tag) =	ssettag $0x0;
	lr =	simm.s32 $0x1  }
0x2: {  	[smem:$0x3F9D] =	sst lr;
	_ =	strace $0xD0000000  }
0x3: {  	_ = 	snop  }
0x4: {  	_ = 	snop  }
0x5: {  	_ = 	snop  }
0x6: {  	_ = 	snop  }
0x7: {  	_ = 	snop  }
__scs_overlays_trampoline_lowered:
0x8: {  	[smem:$0x3FAC] =	sst s0  }
0x9: {  	[smem:$0x3FAD] =	sst s1  }
0xa: {  	[smem:$0x3FAE] =	sst s2  }
0xb: {  	[smem:$0x3FAF] =	sst s3  }
0xc: {  	[smem:$0x3FB0] =	sst s4  }
0xd: {  	[smem:$0x3FB1] =	sst s5  }
0xe: {  	[smem:$0x3FB2] =	sst s6  }
0xf: {  	[smem:$0x3FB3] =	sst s7  }
0x10: {  	[smem:$0x3FB4] =	sst s8  }
0x11: {  	[smem:$0x3FB5] =	sst s9;
	s0 =	simm.s32 @!p0 $0x0  }
0x12: {  	s1 =	sld [smem:$0x3F9B];
	s0 =	simm.s32 @p0 $0x1  }
0x13: {  	[smem:$0x3FB6] =	sst s0;
	s0 =	simm.s32 @!p1 $0x0  }
0x14: {  	s2 =	sld [smem:$0x3F9A];
	s0 =	simm.s32 @p1 $0x1  }
0x15: {  	[smem:$0x3FB7] =	sst s0;
	s0 =	simm.s32 @!p2 $0x0  }
0x16: {  	s3 =	sld [smem:$0x3FDB];
	s0 =	simm.s32 @p2 $0x1  }
0x17: {  	s4 =	simm.s32 $0x1BF5;
	[smem:$0x3FB9] =	sst s0  }
0x18: {  	s0 =	sld [smem:$0x3F9C];
	_ =	swait.ge [sflag:s4], $0x0  }
0x19: {  	s7 =	sld [smem:$0x3F9D]  }
0x1a: {  	s8 =	sadd.s32 $0xFFFFE003, lr  }
0x1b: {  	s9 =	sadd.s32 $0xFFFFFEF7, lr;
	s5 =	simm.s32 $0xFFFFFFFF;
	p2 =	slt.u32 s8, $0xFFFFF086  }
0x1c: {  	p1 =	slt.u32 s9, $0xF7A;
	s5 =	simm.s32 @!p2 $0x0  }
0x1d: {  	s5 =	simm.s32 @p1 $0x1;
	p0 =	seq.s32 s7, s2  }
0x1e: {  	s7 =	smul.u32 @!p0 $0xF7A, s2;
	p2 =	seq.s32 @!p0 s5, $0x0  }
0x1f: {  	s9 =	smul.u32 $0xF7A, s1;
	s8 =	simm.s32 @!p0 $0x1BF5;
	p2 =	por !p2, p0  }
0x20: {  	[sflag:s8] =	ssyncset.s32 @!p0 $0xFFFFF086;
	s6 =	sadd.s32 @!p0 s3, s7;
	s7 =	simm.s32 @!p0 $0x108  }
0x21: {  	s3 =	sadd.s32 s3, s9;
	s6 =	sadd.s32 @!p0 $0x88, s6;
	s7 =	simm.s32 @p2 $0x1082  }
0x22: {  	[simem:s7], [sflag:s8] =	dma.local @!p0 [hbm:s6], $0xF7A  }
0x23: {  	s9 =	sor.u32 $0xD0000000, s2;
	s6 =	simm.s32 $0x108;
	_ =	swait.ge @!p0 [sflag:s8], $0x0  }
0x24: {  	s3 =	sadd.s32 $0x88, s3;
	s6 =	simm.s32 @!p1 $0x1082;
	[sflag:s4] =	ssyncset.s32 $0xFFFFF086  }
0x25: {  	[simem:s6], [sflag:s4] =	dma.local [hbm:s3], $0xF7A  }
0x26: {  	[smem:$0x3F9D] =	sst s1;
	(tag) =	ssettag s2;
	_ =	strace s9  }
0x27: {  	s1 =	sld [smem:$0x3FAD]  }
0x28: {  	s2 =	sld [smem:$0x3FAE]  }
0x29: {  	s4 =	sld [smem:$0x3FB0]  }
0x2a: {  	p0 =	seq.s32 s5, $0x0;
	s5 =	sld [smem:$0x3FB1]  }
0x2b: {  	s6 =	sld [smem:$0x3FB2]  }
0x2c: {  	s7 =	sld [smem:$0x3FB3]  }
0x2d: {  	s3 =	simm.s32 $0x108;
	s8 =	sld [smem:$0x3FB4]  }
0x2e: {  	s3 =	simm.s32 @!p0 $0x1082;
	s9 =	sld [smem:$0x3FB5]  }
0x2f: {  	lr =	sadd.s32 s0, s3;
	s0 =	sld [smem:$0x3FAC]  }
0x30: {  	s3 =	sld [smem:$0x3FAF]  }
0x31: {  	[smem:$0x3FB8] =	sst s10  }
0x32: {  	s10 =	sld [smem:$0x3FB6];
	_ =	sdelay $0x3  }
0x33: {  	p0 =	seq.s32 s10, $0x1;
	s10 =	sld [smem:$0x3FB8];
	_ =	sdelay $0x3  }
0x34: {  	[smem:$0x3FB8] =	sst s10  }
0x35: {  	s10 =	sld [smem:$0x3FB7];
	_ =	sdelay $0x3  }
0x36: {  	p1 =	seq.s32 s10, $0x1;
	s10 =	sld [smem:$0x3FB8];
	_ =	sdelay $0x3  }
0x37: {  	[smem:$0x3FB8] =	sst s10  }
0x38: {  	s10 =	sld [smem:$0x3FB9]  }
0x39: {  	_ = 	snop;
	(pc) =	sbr.ind lr, $3  }
0x3a: {  	_ = 	snop  }
0x3b: {  	_ = 	snop  }
0x3c: {  	p2 =	seq.s32 s10, $0x1;
	s10 =	sld [smem:$0x3FB8]  }
0x3d: {  	_ =	shalt  }
0x3e: {  	_ =	shalt  }
0x3f: {  	_ =	shalt  }
0x40: {  	_ =	shalt  }
0x41: {  	_ =	shalt  }
0x42: {  	_ =	shalt  }
0x43: {  	_ =	shalt  }
0x44: {  	_ =	shalt  }
0x45: {  	_ =	shalt  }
0x46: {  	_ =	shalt  }
0x47: {  	_ =	shalt  }
0x48: {  	_ =	shalt  }
0x49: {  	_ =	shalt  }
0x4a: {  	_ =	shalt  }
0x4b: {  	_ =	shalt  }
0x4c: {  	_ =	shalt  }
0x4d: {  	_ =	shalt  }
0x4e: {  	_ =	shalt  }
0x4f: {  	_ =	shalt  }
0x50: {  	_ =	shalt  }
0x51: {  	_ =	shalt  }
0x52: {  	_ =	shalt  }
0x53: {  	_ =	shalt  }
0x54: {  	_ =	shalt  }
0x55: {  	_ =	shalt  }
0x56: {  	_ =	shalt  }
0x57: {  	_ =	shalt  }
0x58: {  	_ =	shalt  }
0x59: {  	_ =	shalt  }
0x5a: {  	_ =	shalt  }
0x5b: {  	_ =	shalt  }
0x5c: {  	_ =	shalt  }
0x5d: {  	_ =	shalt  }
0x5e: {  	_ =	shalt  }
0x5f: {  	_ =	shalt  }
0x60: {  	_ =	shalt  }
0x61: {  	_ =	shalt  }
0x62: {  	_ =	shalt  }
0x63: {  	_ =	shalt  }
0x64: {  	_ =	shalt  }
0x65: {  	_ =	shalt  }
0x66: {  	_ =	shalt  }
0x67: {  	_ =	shalt  }
0x68: {  	_ =	shalt  }
0x69: {  	_ =	shalt  }
0x6a: {  	_ =	shalt  }
0x6b: {  	_ =	shalt  }
0x6c: {  	_ =	shalt  }
0x6d: {  	_ =	shalt  }
0x6e: {  	_ =	shalt  }
0x6f: {  	_ =	shalt  }
0x70: {  	_ =	shalt  }
0x71: {  	_ =	shalt  }
0x72: {  	_ =	shalt  }
0x73: {  	_ =	shalt  }
0x74: {  	_ =	shalt  }
0x75: {  	_ =	shalt  }
0x76: {  	_ =	shalt  }
0x77: {  	_ =	shalt  }
0x78: {  	_ =	shalt  }
0x79: {  	_ =	shalt  }
0x7a: {  	_ =	shalt  }
0x7b: {  	_ =	shalt  }
0x7c: {  	_ =	shalt  }
0x7d: {  	_ =	shalt  }
0x7e: {  	_ =	shalt  }
0x7f: {  	_ =	shalt  }
0x80: {  	_ =	shalt  }
0x81: {  	_ =	shalt  }
0x82: {  	_ =	shalt  }
0x83: {  	_ =	shalt  }
0x84: {  	_ =	shalt  }
0x85: {  	_ =	shalt  }
0x86: {  	_ =	shalt  }
0x87: {  	_ =	shalt  }
.Lfunc_end0:
.L_simem_size_0:
called_computation_lowered:
.L_overlay_start_0:
0x88: {  	s2 =	sld [smem:$0x3FD9]  }
0x89: {  	s3 =	sld [smem:$0x3FFE];
	_ =	sdelay $0x1  }
0x8a: {  	s1 =	srdreg.scid  }
0x8b: {  	s0 =	sand.u32 $0x1, s1  }
0x8c: {  	s18 =	sshll.u32 s0, $0xA;
	s2 =	sadd.s32 s3, s2  }
0x8d: {  	s2 =	sadd.s32 s2, s18  }
0x8e: {  	[smem:$0x3FC4] =	sst s2  }
0x8f: {  	_ = 	snop  }
0x90: {  	s2 =	sld [smem:$0x3FC9]  }
0x91: {  	s19 =	sld [smem:$0x3FC8]  }
0x92: {  	s4 =	sld [smem:$0x3FC7]  }
0x93: {  	s5 =	sld [smem:$0x3FC6]  }
0x94: {  	s6 =	sld [smem:$0x3FD0];
	(tm) =	ssettm $0x1  }
0x95: {  	s7 =	sld [smem:$0x3FFB];
	_ =	sdelay $0x3  }
0x96: {  	_ =	strace s7  }
0x97: {  	s7 =	sld [smem:$0x3FFC];
	_ =	sdelay $0x3  }
0x98: {  	_ =	strace s7  }
0x99: {  	s7 =	sld [smem:$0x3FFD];
	_ =	sdelay $0x3  }
0x9a: {  	_ =	strace s7  }
0x9b: {  	_ =	strace $0x8FFFFFFF  }
0x9c: {  	s20 =	sld [smem:$0x3FDB];
	_ =	sdelay $0x1  }
0x9d: {  	s8 =	simm.s32 $_scs_section_size  }
0x9e: {  	s9 =	simm.s32 $_size__tile_overlayer_lowered;
	s10 =	simm.s32 $_tile_overlayer_lowered  }
0x9f: {  	s23 =	simm.s32 $0x1BFF;
	s22 =	sshll.u32 s10, $0x1;
	s7 =	sadd.s32 s8, s20  }
0xa0: {  	s11 =	simm.s32 $0x0;
	s21 =	sshll.u32 s9, $0x1;
	s9 =	sadd.s32 s22, s7  }
0xa1: {  	[timem:s11], [sflag:s23] =	dma.local [hbm:s9], s21  }
0xa2: {  	_ =	swait.ge [sflag:s23], s21  }
0xa3: {  	s8 =	ssub.s32 $0x0, s21;
	[sflag:s23] =	ssyncset.done $0x0  }
0xa4: {  	[sflag:s23] =	ssyncadd.s32 s8;
	_ =	sdelay $0x1  }
0xa5: {  	s24 =	simm.s32 $0x1B8B  }
0xa6: {  	_ =	swait.ge [sflag:s24], $0x1  }
0xa7: {  	[sflag:s24] =	ssyncset.done $0x0  }
0xa8: {  	s25 =	simm.s32 $0x1B8E;
	[sflag:s24] =	ssyncadd.s32 $0xFFFFFFFF  }
0xa9: {  	s26 =	simm.s32 $execute0_lowered;
	[smem:$0x3FD2] =	sst s25  }
0xaa: {  	s8 =	sshll.u32 s26, $0x1;
	_ =	strace $0x80000046;
	[dreg:$0x1] =	wrdreg $0xFFFFFFFF  }
0xab: {  	s28 =	simm.s32 $_size_execute0_lowered;
	s7 =	sadd.s32 s7, s8;
	[dreg:$0x0] =	wrdreg $0x0  }
0xac: {  	s8 =	sshll.u32 s28, $0x1;
	[dreg:$0x2] =	wrdreg s7  }
0xad: {  	[dreg:$0x3] =	wrdreg s8  }
0xae: {  	[dreg:$0x4] =	wrdreg $0xC0  }
0xaf: {  	_ =	task [dreg:s11], $0x5FFFF  }
0xb0: {  	[dreg:$0x1] =	wrdreg $0xFFFFFFFF  }
0xb1: {  	[dreg:$0x0] =	wrdreg $0x60  }
0xb2: {  	[dreg:$0x2] =	wrdreg s2  }
0xb3: {  	[dreg:$0x3] =	wrdreg s19  }
0xb4: {  	[dreg:$0x4] =	wrdreg s4  }
0xb5: {  	[dreg:$0x5] =	wrdreg s5  }
0xb6: {  	[dreg:$0x6] =	wrdreg s6  }
0xb7: {  	[dreg:$0x7] =	wrdreg $0x42000  }
0xb8: {  	[dreg:$0x8] =	wrdreg $0x9  }
0xb9: {  	_ =	task.clear_ibuf [dreg:s11], $0x9FFFF;
	_ =	strace $0x90000046  }
0xba: {  	s29 =	simm.s32 $0x9;
	_ =	strace $0x80000048  }
0xbb: {  	_ =	swait.ge [sflag:s29], $0x1  }
0xbc: {  	[sflag:s29] =	ssyncadd.s32 $0xFFFFFFFF  }
0xbd: {  	_ =	strace $0x90000048  }
0xbe: {  	_ =	sfence  }
0xbf: {  	s30 =	sld [smem:$0x0];
	_ =	sdelay $0x2  }
0xc0: {  	s31 =	sshll.u32 s1, $0xD;
	s1 =	sshrl.u32 s1, $0x2  }
0xc1: {  	s3 =	sand.u32 $0x4000, s31;
	s1 =	sadd.s32 s1, s30  }
0xc2: {  	s0 =	sor.u32 s3, s0;
	s1 =	sshll.u32 s1, $0x11  }
0xc3: {  	s0 =	sor.u32 s1, s0  }
0xc4: {  	s0 =	sadd.s32 $0x8F2B, s0  }
0xc5: {  	[sflag:s0] =	ssyncadd.remote.s32 $0x1  }
0xc6: {  	_ =	sfence.sel $0xFFFF  }
0xc7: {  	[dreg:$0x0] =	wrdreg $0xFFFFFFFF;
	(pc) =	sbr.abs _section_cstart, $3  }
0xc8: {  	[dreg:$0x1] =	wrdreg $0xFFFFFFFF  }
0xc9: {  	_ =	task.clear_ibuf [dreg:s11], $0x2FFFF;
	_ =	strace $0x9FFFFFFF  }
0xca: {  	(tm) =	ssettm $0x7FFFFFFF  }
0xcb: {  	_ =	shalt  }
tec
execute0_lowered:
.L_overlay_start_1:
0x0: {  	(tag) =	ssettag $0x1  }
0x1: {  	s3 =	rddreg [dreg:$0x2]  }
0x2: {  	s4 =	rddreg [dreg:$0x3]  }
0x3: {  	s0 =	rddreg [dreg:$0x4]  }
0x4: {  	s5 =	rddreg [dreg:$0x5]  }
0x5: {  	s2 =	srdreg.scid;
	s6 =	stileid.u32;
	s7 =	simm.s32 $0x0  }
0x6: {  	s28 =	simm.s32 $0x100;
	s29 =	simm.s32 $0x180;
	s30 =	simm.s32 $0x1  }
0x7: {  	s31 =	simm.s32 $0x0;
	s2 =	sand.u32 $0x1, s2;
	s9 =	sshll.u32 s6, $0xF  }
0x8: {  	[smem:$0x7FF] =	sst s7;
	s8 =	sshll.u32 s2, $0x13;
	s2 =	ssub.s32 $0x2, s2  }
0x9: {  	p0 =	sne.s32 s6, $0x0;
	s8 =	sor.u32 s9, s8;
	s25 =	sshrl.u32 s2, $0x1  }
0xa: {  	_ =	strace $0x80000047;
	s8 =	sadd.s32 s0, s8;
	s26 =	ssub.s32 s2, s25  }
0xb: {  	s25 =	simm.s32 $0x2;
	s9 =	sadd.s32 $0x800, s8;
	s10 =	sadd.s32 $0x1000, s8  }
0xc: {  	s11 =	sadd.s32 $0x1800, s8;
	s12 =	sadd.s32 $0x2000, s8;
	s13 =	sadd.s32 $0x2800, s8  }
0xd: {  	s14 =	sadd.s32 $0x3000, s8;
	s15 =	sadd.s32 $0x3800, s8;
	s16 =	sadd.s32 $0x4000, s8  }
0xe: {  	s17 =	sadd.s32 $0x4800, s8;
	s18 =	sadd.s32 $0x5000, s8;
	s19 =	sadd.s32 $0x5800, s8  }
0xf: {  	s20 =	sadd.s32 $0x6000, s8;
	s21 =	sadd.s32 $0x6800, s8;
	s22 =	sadd.s32 $0x7000, s8  }
0x10: {  	s23 =	sadd.s32 $0x7800, s8;
	s24 =	smax.u32 s26, $0x1;
	s26 =	simm.s32 $0x80  }
.LBB2_1:
0x11: {  	s0 =	rddreg [dreg:$0x0]  }
0x12: {  	[tilespmem:s7], [sflag:$0x2] =	stream.linear.gather [hbm4b:s0+s7], $0x80, $0x38;
	[tilespmem:$0x4600] =	vst v63  }
0x13: {  	_ =	swait.ge [sflag:s25], $0x80  }
0x14: {  	[sflag:s25] =	ssyncset.done $0x0  }
0x15: {  	[sflag:s25] =	ssyncadd.s32 $0xFFFFFF80  }
0x16: {  	s2 =	rddreg [dreg:$0x1]  }
0x17: {  	[tilespmem:s26], [sflag:$0x2] =	stream.linear.gather [hbm4b:s2+s7], $0x80, $0x38;
	[tilespmem:$0x4600] =	vst v63  }
0x18: {  	_ =	swait.ge [sflag:s25], $0x80  }
0x19: {  	[sflag:s25] =	ssyncset.done $0x0  }
0x1a: {  	[sflag:s25] =	ssyncadd.s32 $0xFFFFFF80  }
0x1b: {  	[tilespmem:s28], [sflag:$0x2] =	stream.linear.gather [hbm4b:s3+s7], $0x80, $0x38;
	[tilespmem:$0x4600] =	vst v63  }
0x1c: {  	_ =	swait.ge [sflag:s25], $0x80  }
0x1d: {  	[sflag:s25] =	ssyncset.done $0x0  }
0x1e: {  	[sflag:s25] =	ssyncadd.s32 $0xFFFFFF80  }
0x1f: {  	[tilespmem:s29], [sflag:$0x2] =	stream.linear.gather [hbm4b:s4+s7], $0x80, $0x38;
	[tilespmem:$0x4600] =	vst v63  }
0x20: {  	_ =	swait.ge [sflag:s25], $0x80  }
0x21: {  	[sflag:s25] =	ssyncset.done $0x0  }
0x22: {  	[sflag:s25] =	ssyncadd.s32 $0xFFFFFF80  }
0x23: {  	v0 =	vld [tilespmem:$0x0]  }
0x24: {  	v1 =	vld [tilespmem:$0x80]  }
0x25: {  	v2 =	vld [tilespmem:$0x10]  }
0x26: {  	v3 =	vld [tilespmem:$0x90];
	_ =	sdelay $0x3  }
0x27: {  	v5 =	vld [tilespmem:$0x110];
	v0 =	vmul.f32 $3.000000000e+00, v0  }
0x28: {  	v4 =	vld [tilespmem:$0x100];
	v1 =	vadd.f32 v1, v1;
	v2 =	vmul.f32 $3.000000000e+00, v2;
	v3 =	vadd.f32 v3, v3  }
0x29: {  	v7 =	vld [tilespmem:$0x190]  }
0x2a: {  	v6 =	vld [tilespmem:$0x180];
	v0 =	vsub.f32 v0, v1;
	v1 =	vsub.f32 v2, v3;
	_ =	sdelay $0x1  }
0x2b: {  	v1 =	vsub.f32 v1, v5  }
0x2c: {  	v0 =	vsub.f32 v0, v4  }
0x2d: {  	v1 =	vadd.f32 v1, v7  }
0x2e: {  	s0 =	simm.s32 $0x100;
	s2 =	simm.s32 $0x0;
	v0 =	vadd.f32 v0, v6  }
.LBB2_2:
0x2f: {  	p1 =	sne.s32 s0, $0xFF00;
	[tilespmem:s2+$0x230] =	vst v1;
	s1 =	smov.u32 s0;
	s0 =	sadd.s32 $0x100, s0  }
.Ltmp0:
0x30: {  	[tilespmem:s2+$0x220] =	vst v0;
	(pc) =	sbr.rel @p1 .LBB2_2-.Ltmp0, $3  }
0x31: {  	[tilespmem:s2+$0x200] =	vst v0  }
0x32: {  	[tilespmem:s2+$0x210] =	vst v1;
	_ =	sdelay $0x1  }
0x33: {  	s2 =	sshra.s32 s1, $0x2  }
0x34: {  	[tilespmem:s2+$0x230] =	vst v1  }
0x35: {  	[tilespmem:s2+$0x220] =	vst v0  }
0x36: {  	[tilespmem:s2+$0x200] =	vst v0  }
0x37: {  	[tilespmem:s2+$0x210] =	vst v1;
	s0 =	simm.s32 @!p0 $0x200  }
0x38: {  	[spmem:s5] =	stream.linear.scatter @!p0 [tilespmem:s0], [sflag:$0x2], $0x4000, $0x38;
	[tilespmem:$0x4600] =	vst v63  }
0x39: {  	s0 =	simm.s32 @!p0 $0x2  }
0x3a: {  	_ =	swait.ge @!p0 [sflag:s0], $0x4000  }
0x3b: {  	[sflag:s0] =	ssyncset.done @!p0 $0x0  }
0x3c: {  	s2 =	sshll.u32 s6, $0x6;
	[sflag:s0] =	ssyncadd.s32 @!p0 $0xFFFFC000  }
0x3d: {  	s1 =	sshrl.u32 s5, $0x3;
	s0 =	sor.u32 $0x1C01, s2;
	[bflag:$0x0] =	sbarrier.arrive $0xFFFF  }
0x3e: {  	[hbm:s8], [sflag:s0] =	dma.local [spmem:s1], $0x800  }
0x3f: {  	[hbm:s9], [sflag:s0] =	dma.local [spmem:s1], $0x800  }
0x40: {  	[hbm:s10], [sflag:s0] =	dma.local [spmem:s1], $0x800  }
0x41: {  	[hbm:s11], [sflag:s0] =	dma.local [spmem:s1], $0x800  }
0x42: {  	[hbm:s12], [sflag:s0] =	dma.local [spmem:s1], $0x800  }
0x43: {  	[hbm:s13], [sflag:s0] =	dma.local [spmem:s1], $0x800  }
0x44: {  	[hbm:s14], [sflag:s0] =	dma.local [spmem:s1], $0x800  }
0x45: {  	[hbm:s15], [sflag:s0] =	dma.local [spmem:s1], $0x800  }
0x46: {  	[hbm:s16], [sflag:s0] =	dma.local [spmem:s1], $0x800  }
0x47: {  	[hbm:s17], [sflag:s0] =	dma.local [spmem:s1], $0x800  }
0x48: {  	[hbm:s18], [sflag:s0] =	dma.local [spmem:s1], $0x800  }
0x49: {  	[hbm:s19], [sflag:s0] =	dma.local [spmem:s1], $0x800  }
0x4a: {  	[hbm:s20], [sflag:s0] =	dma.local [spmem:s1], $0x800  }
0x4b: {  	[hbm:s21], [sflag:s0] =	dma.local [spmem:s1], $0x800  }
0x4c: {  	[hbm:s22], [sflag:s0] =	dma.local [spmem:s1], $0x800  }
0x4d: {  	[hbm:s23], [sflag:s0] =	dma.local [spmem:s1], $0x800  }
0x4e: {  	_ =	swait.ge [sflag:s30], $0x800  }
0x4f: {  	[sflag:s30] =	ssyncset.done $0x0  }
0x50: {  	[sflag:s30] =	ssyncadd.s32 $0xFFFFF800  }
0x51: {  	_ =	swait.ge [sflag:s30], $0x800  }
0x52: {  	[sflag:s30] =	ssyncset.done $0x0  }
0x53: {  	[sflag:s30] =	ssyncadd.s32 $0xFFFFF800  }
0x54: {  	_ =	swait.ge [sflag:s30], $0x800  }
0x55: {  	[sflag:s30] =	ssyncset.done $0x0  }
0x56: {  	[sflag:s30] =	ssyncadd.s32 $0xFFFFF800  }
0x57: {  	_ =	swait.ge [sflag:s30], $0x800  }
0x58: {  	[sflag:s30] =	ssyncset.done $0x0  }
0x59: {  	[sflag:s30] =	ssyncadd.s32 $0xFFFFF800  }
0x5a: {  	_ =	swait.ge [sflag:s30], $0x800  }
0x5b: {  	[sflag:s30] =	ssyncset.done $0x0  }
0x5c: {  	[sflag:s30] =	ssyncadd.s32 $0xFFFFF800  }
0x5d: {  	_ =	swait.ge [sflag:s30], $0x800  }
0x5e: {  	[sflag:s30] =	ssyncset.done $0x0  }
0x5f: {  	[sflag:s30] =	ssyncadd.s32 $0xFFFFF800  }
0x60: {  	_ =	swait.ge [sflag:s30], $0x800  }
0x61: {  	[sflag:s30] =	ssyncset.done $0x0  }
0x62: {  	[sflag:s30] =	ssyncadd.s32 $0xFFFFF800  }
0x63: {  	_ =	swait.ge [sflag:s30], $0x800  }
0x64: {  	[sflag:s30] =	ssyncset.done $0x0  }
0x65: {  	[sflag:s30] =	ssyncadd.s32 $0xFFFFF800  }
0x66: {  	_ =	swait.ge [sflag:s30], $0x800  }
0x67: {  	[sflag:s30] =	ssyncset.done $0x0  }
0x68: {  	[sflag:s30] =	ssyncadd.s32 $0xFFFFF800  }
0x69: {  	_ =	swait.ge [sflag:s30], $0x800  }
0x6a: {  	[sflag:s30] =	ssyncset.done $0x0  }
0x6b: {  	[sflag:s30] =	ssyncadd.s32 $0xFFFFF800  }
0x6c: {  	_ =	swait.ge [sflag:s30], $0x800  }
0x6d: {  	[sflag:s30] =	ssyncset.done $0x0  }
0x6e: {  	[sflag:s30] =	ssyncadd.s32 $0xFFFFF800  }
0x6f: {  	_ =	swait.ge [sflag:s30], $0x800  }
0x70: {  	[sflag:s30] =	ssyncset.done $0x0  }
0x71: {  	[sflag:s30] =	ssyncadd.s32 $0xFFFFF800  }
0x72: {  	_ =	swait.ge [sflag:s30], $0x800  }
0x73: {  	[sflag:s30] =	ssyncset.done $0x0  }
0x74: {  	[sflag:s30] =	ssyncadd.s32 $0xFFFFF800  }
0x75: {  	_ =	swait.ge [sflag:s30], $0x800  }
0x76: {  	[sflag:s30] =	ssyncset.done $0x0  }
0x77: {  	s31 =	sadd.s32 $0x1, s31;
	[sflag:s30] =	ssyncadd.s32 $0xFFFFF800  }
0x78: {  	p1 =	sne.s32 s31, s24;
	_ =	swait.ge [sflag:s30], $0x800  }
.Ltmp1:
0x79: {  	[sflag:s30] =	ssyncset.done $0x0;
	(pc) =	sbr.rel @p1 .LBB2_1-.Ltmp1, $4  }
0x7a: {  	[sflag:s30] =	ssyncadd.s32 $0xFFFFF800  }
0x7b: {  	_ =	swait.ge [sflag:s30], $0x800  }
0x7c: {  	[sflag:s30] =	ssyncset.done $0x0  }
0x7d: {  	[sflag:s30] =	ssyncadd.s32 $0xFFFFF800  }
0x7e: {  	_ =	sfence.sel $0x180000  }
0x7f: {  	[bflag:$0x0] =	sbarrier.arrive $0xFFFF  }
0x80: {  	_ =	strace $0x90000047  }
0x81: {  	[bflag:$0x2] =	sbarrier.arrive $0xFFFF  }
0x82: {  	s0 =	rddreg [dreg:$0x6]  }
0x83: {  	s0 =	sadd.s32 @!p0 $0x100000, s0  }
0x84: {  	[sflag:s0] =	ssyncadd.tile.s32 @!p0 $0x1;
	_ =	shalt  }
.Lfunc_end2:
_tile_overlayer_lowered:
.L_overlay_start_2:
0x85: {  	(tag) =	ssettag $0x2  }
0x86: {  	s0 =	rddreg [dreg:$0x0];
	s2 =	stileid.u32  }
0x87: {  	s1 =	rddreg [dreg:$0x1];
	p0 =	sne.s32 s2, $0x0  }
0x88: {  	s3 =	rddreg [dreg:$0x2];
	[bflag:$0x3] =	sbarrier.arrive $0xFFFF;
	s2 =	simm.s32 @!p0 $0x1C02  }
0x89: {  	[timem:s3], [sflag:s2] =	dma.local @!p0 [hbm:s0], s1  }
0x8a: {  	s0 =	simm.s32 @!p0 $0x2  }
0x8b: {  	_ =	swait.ge @!p0 [sflag:s0], s1  }
0x8c: {  	s1 =	ssub.s32 @!p0 $0x0, s1;
	[sflag:s0] =	ssyncset.done @!p0 $0x0  }
0x8d: {  	[sflag:s0] =	ssyncadd.s32 @!p0 s1  }
0x8e: {  	[bflag:$0x3] =	sbarrier.arrive $0xFFFF  }
0x8f: {  	_ =	shalt  }

</sc_bundles>
